<compile_context>
chip_gen: v7x
topology: tpu7x:2x2x1
jax: 0.10.2.dev20260603
libtpu: 0.0.44.dev20260713+nightly
codegen_flags: <defaults>
</compile_context>

<pallas_src>
import functools

import jax
import jax.numpy as jnp
from jax import lax
from jax.experimental import pallas as pl
from jax.experimental.pallas import tpu as pltpu
from jax.experimental.pallas import tpu_sc as plsc

_B = 128
_L = 16
_PAD = 160
_TOKENS = _B * (_B - 1) // 2
_D = 1024
_BLK = 1016

_mesh = plsc.VectorSubcoreMesh(core_axis_name="c", subcore_axis_name="s", num_cores=1)


@functools.partial(
    pl.kernel,
    mesh=_mesh,
    out_type=jax.ShapeDtypeStruct((_PAD,), jnp.int32),
    scratch_types=[
        pltpu.VMEM((_B,), jnp.int32),
        pltpu.VMEM((_PAD,), jnp.int32),
    ],
    compiler_params=pltpu.CompilerParams(needs_layout_passes=False),
)
def _row_splits_sc(rl_hbm, out_hbm, rl_v, out_v):
    @pl.when((lax.axis_index("c") == 0) & (lax.axis_index("s") == 0))
    def _():
        pltpu.sync_copy(rl_hbm, rl_v)
        carry = jnp.int32(0)
        for j in range(_B // _L):
            x = rl_v[pl.ds(j * _L, _L)]
            inc = plsc.cumsum(x)
            out_v[pl.ds(j * _L, _L)] = (inc - x) + carry
            carry = carry + jnp.sum(x)
        total = jnp.zeros((_L,), jnp.int32) + carry
        for j in range(_B // _L, _PAD // _L):
            out_v[pl.ds(j * _L, _L)] = total
        pltpu.sync_copy(out_v, out_hbm)


def _copy_body(src_ref, dst_ref):
    dst_ref[...] = src_ref[...]


_values_copy_tc = pl.pallas_call(
    _copy_body,
    grid=(_TOKENS // _BLK,),
    in_specs=[pl.BlockSpec((_BLK, _D), lambda i: (i, 0))],
    out_specs=pl.BlockSpec((_BLK, _D), lambda i: (i, 0)),
    out_shape=jax.ShapeDtypeStruct((_TOKENS, _D), jnp.float32),
)


def kernel(values, row_lengths):
    splits_padded = _row_splits_sc(row_lengths)
    row_splits = lax.slice(splits_padded, (0,), (_B + 1,))
    values_out = _values_copy_tc(values)
    return values_out, row_splits

# --- scband reference (transcript-rebuilt; emitter-appended) ---
"""Pipeline reference for scband-ragged-from-row-lengths-81226421502536 (READ-ONLY COPY).

The authoritative reference and input builder live on the scoring server;
editing this copy changes nothing except your own understanding.
"""

import jax, jax.numpy as jnp
import numpy as np


def setup_inputs(seed: int = 0) -> dict:
    key = jax.random.key(seed)
    B = 128
    d = 1024
    # row_lengths = [0, 1, 2, ..., 127]; sum = 128*127/2 = 8128
    row_lengths = jnp.arange(B, dtype=jnp.int32)
    total_tokens = int(B * (B - 1) // 2)  # 8128
    values = jax.random.normal(key, (total_tokens, d), dtype=jnp.float32)
    return {"values": values, "row_lengths": row_lengths}


def reference(values, row_lengths):
    # tf.RaggedTensor.from_row_lengths(values, row_lengths) constructs a ragged
    # tensor whose canonical encoding is (flat_values, row_splits) where
    # row_splits = [0, cumsum(row_lengths)].
    # JAX has no ragged type, so we return that exact encoding.
    zero = jnp.zeros((1,), dtype=row_lengths.dtype)
    row_splits = jnp.concatenate([zero, jnp.cumsum(row_lengths)])
    return values, row_splits

if __name__ == "__main__":
    import jax
    _d = setup_inputs()
    print(jax.jit(kernel)(*tuple(_d.values())))

</pallas_src>

<mosaic_0001>
#map = affine_map<(d0, d1) -> (0)>
module attributes {stable_mosaic.version = 14 : i64} {
  func.func @_row_splits_sc(%arg0: i32, %arg1: i32, %arg2: memref<128xi32, #tpu.memory_space<hbm>>, %arg3: memref<160xi32, #tpu.memory_space<hbm>>, %arg4: memref<128xi32, #tpu.memory_space<vmem>>, %arg5: memref<160xi32, #tpu.memory_space<vmem>>) attributes {dimension_semantics = [#tpu.dimension_semantics<core_parallel>, #tpu.dimension_semantics<subcore_parallel>], iteration_bounds = array<i64: 1, 16>, scalar_prefetch = 0 : i64, scratch_operands = 2 : i64, tpu.core_type = #tpu.core_type<sc_vector_subcore>, window_params = [{transform_indices = #map}, {transform_indices = #map}]} {
    %eq3A = arith.constant 0 : i32
    %eq3A_0 = arith.cmpi eq, %arg0, %eq3A : i32
    %eq3A_1 = arith.constant 0 : i32
    %eq3A_2 = arith.cmpi eq, %arg1, %eq3A_1 : i32
    %and3A = arith.andi %eq3A_0, %eq3A_2 : i1
    %convert_element_type3A = arith.extui %and3A : i1 to i32
    %cond3A = arith.constant 0 : i32
    %cond3A_3 = arith.cmpi ne, %convert_element_type3A, %cond3A : i32
    scf.if %cond3A_3 {
      "tpu.region"() ({
        %run_scoped3A = tpu.sem_alloc : memref<!tpu.dma_semaphore, #tpu.memory_space<semaphore_mem>>
        tpu.enqueue_dma source(%arg2 : memref<128xi32, #tpu.memory_space<hbm>>) target(%arg4 : memref<128xi32, #tpu.memory_space<vmem>>) target_semaphore(%run_scoped3A : memref<!tpu.dma_semaphore, #tpu.memory_space<semaphore_mem>>)
        tpu.wait_dma2 semaphore(%run_scoped3A : memref<!tpu.dma_semaphore, #tpu.memory_space<semaphore_mem>>) src(%arg2 : memref<128xi32, #tpu.memory_space<hbm>>) dst(%arg4 : memref<128xi32, #tpu.memory_space<vmem>>)
        tpu.yield
      }) : () -> ()
      %get3A = arith.constant 0 : index
      %get3A_4 = tpu.vector_load %arg4[%get3A] {strides = array<i32>} : memref<128xi32, #tpu.memory_space<vmem>>, vector<16xi32>,
      %broadcast_in_dim3A = arith.constant true
      %broadcast_in_dim3A_5 = vector.broadcast %broadcast_in_dim3A : i1 to vector<16xi1>
      %masked_cumsum3A = tpu.scan <sum>, %get3A_4 masked %broadcast_in_dim3A_5 : vector<16xi32>, vector<16xi1> -> vector<16xi32>
      %sub3A = arith.subi %masked_cumsum3A, %get3A_4 : vector<16xi32>
      %add3A = arith.constant 0 : i32
      %add3A_6 = vector.broadcast %add3A : i32 to vector<16xi32>
      %add3A_7 = arith.addi %sub3A, %add3A_6 : vector<16xi32>
      %swap3A = arith.constant 0 : index
      %swap3A_8 = tpu.vector_load %arg5[%swap3A] {strides = array<i32>} : memref<160xi32, #tpu.memory_space<vmem>>, vector<16xi32>,
      tpu.vector_store %arg5[%swap3A], %add3A_7 {strides = array<i32>} : memref<160xi32, #tpu.memory_space<vmem>>, vector<16xi32>,
      %reduce_sum3A = arith.constant true
      %reduce_sum3A_9 = vector.broadcast %reduce_sum3A : i1 to vector<16xi1>
      %reduce_sum3A_10 = tpu.scan <sum>, %get3A_4 masked %reduce_sum3A_9 : vector<16xi32>, vector<16xi1> -> vector<16xi32>
      %reduce_sum3A_11 = vector.extract %reduce_sum3A_10[15] : i32 from vector<16xi32>
      %add3A_12 = arith.constant 0 : i32
      %add3A_13 = arith.addi %add3A_12, %reduce_sum3A_11 : i32
      %get3A_14 = arith.constant 16 : index
      %get3A_15 = tpu.vector_load %arg4[%get3A_14] {strides = array<i32>} : memref<128xi32, #tpu.memory_space<vmem>>, vector<16xi32>,
      %broadcast_in_dim3A_16 = arith.constant true
      %broadcast_in_dim3A_17 = vector.broadcast %broadcast_in_dim3A_16 : i1 to vector<16xi1>
      %masked_cumsum3A_18 = tpu.scan <sum>, %get3A_15 masked %broadcast_in_dim3A_17 : vector<16xi32>, vector<16xi1> -> vector<16xi32>
      %sub3A_19 = arith.subi %masked_cumsum3A_18, %get3A_15 : vector<16xi32>
      %add3A_20 = vector.broadcast %add3A_13 : i32 to vector<16xi32>
      %add3A_21 = arith.addi %sub3A_19, %add3A_20 : vector<16xi32>
      %swap3A_22 = arith.constant 16 : index
      %swap3A_23 = tpu.vector_load %arg5[%swap3A_22] {strides = array<i32>} : memref<160xi32, #tpu.memory_space<vmem>>, vector<16xi32>,
      tpu.vector_store %arg5[%swap3A_22], %add3A_21 {strides = array<i32>} : memref<160xi32, #tpu.memory_space<vmem>>, vector<16xi32>,
      %reduce_sum3A_24 = arith.constant true
      %reduce_sum3A_25 = vector.broadcast %reduce_sum3A_24 : i1 to vector<16xi1>
      %reduce_sum3A_26 = tpu.scan <sum>, %get3A_15 masked %reduce_sum3A_25 : vector<16xi32>, vector<16xi1> -> vector<16xi32>
      %reduce_sum3A_27 = vector.extract %reduce_sum3A_26[15] : i32 from vector<16xi32>
      %add3A_28 = arith.addi %add3A_13, %reduce_sum3A_27 : i32
      %get3A_29 = arith.constant 32 : index
      %get3A_30 = tpu.vector_load %arg4[%get3A_29] {strides = array<i32>} : memref<128xi32, #tpu.memory_space<vmem>>, vector<16xi32>,
      %broadcast_in_dim3A_31 = arith.constant true
      %broadcast_in_dim3A_32 = vector.broadcast %broadcast_in_dim3A_31 : i1 to vector<16xi1>
      %masked_cumsum3A_33 = tpu.scan <sum>, %get3A_30 masked %broadcast_in_dim3A_32 : vector<16xi32>, vector<16xi1> -> vector<16xi32>
      %sub3A_34 = arith.subi %masked_cumsum3A_33, %get3A_30 : vector<16xi32>
      %add3A_35 = vector.broadcast %add3A_28 : i32 to vector<16xi32>
      %add3A_36 = arith.addi %sub3A_34, %add3A_35 : vector<16xi32>
      %swap3A_37 = arith.constant 32 : index
      %swap3A_38 = tpu.vector_load %arg5[%swap3A_37] {strides = array<i32>} : memref<160xi32, #tpu.memory_space<vmem>>, vector<16xi32>,
      tpu.vector_store %arg5[%swap3A_37], %add3A_36 {strides = array<i32>} : memref<160xi32, #tpu.memory_space<vmem>>, vector<16xi32>,
      %reduce_sum3A_39 = arith.constant true
      %reduce_sum3A_40 = vector.broadcast %reduce_sum3A_39 : i1 to vector<16xi1>
      %reduce_sum3A_41 = tpu.scan <sum>, %get3A_30 masked %reduce_sum3A_40 : vector<16xi32>, vector<16xi1> -> vector<16xi32>
      %reduce_sum3A_42 = vector.extract %reduce_sum3A_41[15] : i32 from vector<16xi32>
      %add3A_43 = arith.addi %add3A_28, %reduce_sum3A_42 : i32
      %get3A_44 = arith.constant 48 : index
      %get3A_45 = tpu.vector_load %arg4[%get3A_44] {strides = array<i32>} : memref<128xi32, #tpu.memory_space<vmem>>, vector<16xi32>,
      %broadcast_in_dim3A_46 = arith.constant true
      %broadcast_in_dim3A_47 = vector.broadcast %broadcast_in_dim3A_46 : i1 to vector<16xi1>
      %masked_cumsum3A_48 = tpu.scan <sum>, %get3A_45 masked %broadcast_in_dim3A_47 : vector<16xi32>, vector<16xi1> -> vector<16xi32>
      %sub3A_49 = arith.subi %masked_cumsum3A_48, %get3A_45 : vector<16xi32>
      %add3A_50 = vector.broadcast %add3A_43 : i32 to vector<16xi32>
      %add3A_51 = arith.addi %sub3A_49, %add3A_50 : vector<16xi32>
      %swap3A_52 = arith.constant 48 : index
      %swap3A_53 = tpu.vector_load %arg5[%swap3A_52] {strides = array<i32>} : memref<160xi32, #tpu.memory_space<vmem>>, vector<16xi32>,
      tpu.vector_store %arg5[%swap3A_52], %add3A_51 {strides = array<i32>} : memref<160xi32, #tpu.memory_space<vmem>>, vector<16xi32>,
      %reduce_sum3A_54 = arith.constant true
      %reduce_sum3A_55 = vector.broadcast %reduce_sum3A_54 : i1 to vector<16xi1>
      %reduce_sum3A_56 = tpu.scan <sum>, %get3A_45 masked %reduce_sum3A_55 : vector<16xi32>, vector<16xi1> -> vector<16xi32>
      %reduce_sum3A_57 = vector.extract %reduce_sum3A_56[15] : i32 from vector<16xi32>
      %add3A_58 = arith.addi %add3A_43, %reduce_sum3A_57 : i32
      %get3A_59 = arith.constant 64 : index
      %get3A_60 = tpu.vector_load %arg4[%get3A_59] {strides = array<i32>} : memref<128xi32, #tpu.memory_space<vmem>>, vector<16xi32>,
      %broadcast_in_dim3A_61 = arith.constant true
      %broadcast_in_dim3A_62 = vector.broadcast %broadcast_in_dim3A_61 : i1 to vector<16xi1>
      %masked_cumsum3A_63 = tpu.scan <sum>, %get3A_60 masked %broadcast_in_dim3A_62 : vector<16xi32>, vector<16xi1> -> vector<16xi32>
      %sub3A_64 = arith.subi %masked_cumsum3A_63, %get3A_60 : vector<16xi32>
      %add3A_65 = vector.broadcast %add3A_58 : i32 to vector<16xi32>
      %add3A_66 = arith.addi %sub3A_64, %add3A_65 : vector<16xi32>
      %swap3A_67 = arith.constant 64 : index
      %swap3A_68 = tpu.vector_load %arg5[%swap3A_67] {strides = array<i32>} : memref<160xi32, #tpu.memory_space<vmem>>, vector<16xi32>,
      tpu.vector_store %arg5[%swap3A_67], %add3A_66 {strides = array<i32>} : memref<160xi32, #tpu.memory_space<vmem>>, vector<16xi32>,
      %reduce_sum3A_69 = arith.constant true
      %reduce_sum3A_70 = vector.broadcast %reduce_sum3A_69 : i1 to vector<16xi1>
      %reduce_sum3A_71 = tpu.scan <sum>, %get3A_60 masked %reduce_sum3A_70 : vector<16xi32>, vector<16xi1> -> vector<16xi32>
      %reduce_sum3A_72 = vector.extract %reduce_sum3A_71[15] : i32 from vector<16xi32>
      %add3A_73 = arith.addi %add3A_58, %reduce_sum3A_72 : i32
      %get3A_74 = arith.constant 80 : index
      %get3A_75 = tpu.vector_load %arg4[%get3A_74] {strides = array<i32>} : memref<128xi32, #tpu.memory_space<vmem>>, vector<16xi32>,
      %broadcast_in_dim3A_76 = arith.constant true
      %broadcast_in_dim3A_77 = vector.broadcast %broadcast_in_dim3A_76 : i1 to vector<16xi1>
      %masked_cumsum3A_78 = tpu.scan <sum>, %get3A_75 masked %broadcast_in_dim3A_77 : vector<16xi32>, vector<16xi1> -> vector<16xi32>
      %sub3A_79 = arith.subi %masked_cumsum3A_78, %get3A_75 : vector<16xi32>
      %add3A_80 = vector.broadcast %add3A_73 : i32 to vector<16xi32>
      %add3A_81 = arith.addi %sub3A_79, %add3A_80 : vector<16xi32>
      %swap3A_82 = arith.constant 80 : index
      %swap3A_83 = tpu.vector_load %arg5[%swap3A_82] {strides = array<i32>} : memref<160xi32, #tpu.memory_space<vmem>>, vector<16xi32>,
      tpu.vector_store %arg5[%swap3A_82], %add3A_81 {strides = array<i32>} : memref<160xi32, #tpu.memory_space<vmem>>, vector<16xi32>,
      %reduce_sum3A_84 = arith.constant true
      %reduce_sum3A_85 = vector.broadcast %reduce_sum3A_84 : i1 to vector<16xi1>
      %reduce_sum3A_86 = tpu.scan <sum>, %get3A_75 masked %reduce_sum3A_85 : vector<16xi32>, vector<16xi1> -> vector<16xi32>
      %reduce_sum3A_87 = vector.extract %reduce_sum3A_86[15] : i32 from vector<16xi32>
      %add3A_88 = arith.addi %add3A_73, %reduce_sum3A_87 : i32
      %get3A_89 = arith.constant 96 : index
      %get3A_90 = tpu.vector_load %arg4[%get3A_89] {strides = array<i32>} : memref<128xi32, #tpu.memory_space<vmem>>, vector<16xi32>,
      %broadcast_in_dim3A_91 = arith.constant true
      %broadcast_in_dim3A_92 = vector.broadcast %broadcast_in_dim3A_91 : i1 to vector<16xi1>
      %masked_cumsum3A_93 = tpu.scan <sum>, %get3A_90 masked %broadcast_in_dim3A_92 : vector<16xi32>, vector<16xi1> -> vector<16xi32>
      %sub3A_94 = arith.subi %masked_cumsum3A_93, %get3A_90 : vector<16xi32>
      %add3A_95 = vector.broadcast %add3A_88 : i32 to vector<16xi32>
      %add3A_96 = arith.addi %sub3A_94, %add3A_95 : vector<16xi32>
      %swap3A_97 = arith.constant 96 : index
      %swap3A_98 = tpu.vector_load %arg5[%swap3A_97] {strides = array<i32>} : memref<160xi32, #tpu.memory_space<vmem>>, vector<16xi32>,
      tpu.vector_store %arg5[%swap3A_97], %add3A_96 {strides = array<i32>} : memref<160xi32, #tpu.memory_space<vmem>>, vector<16xi32>,
      %reduce_sum3A_99 = arith.constant true
      %reduce_sum3A_100 = vector.broadcast %reduce_sum3A_99 : i1 to vector<16xi1>
      %reduce_sum3A_101 = tpu.scan <sum>, %get3A_90 masked %reduce_sum3A_100 : vector<16xi32>, vector<16xi1> -> vector<16xi32>
      %reduce_sum3A_102 = vector.extract %reduce_sum3A_101[15] : i32 from vector<16xi32>
      %add3A_103 = arith.addi %add3A_88, %reduce_sum3A_102 : i32
      %get3A_104 = arith.constant 112 : index
      %get3A_105 = tpu.vector_load %arg4[%get3A_104] {strides = array<i32>} : memref<128xi32, #tpu.memory_space<vmem>>, vector<16xi32>,
      %broadcast_in_dim3A_106 = arith.constant true
      %broadcast_in_dim3A_107 = vector.broadcast %broadcast_in_dim3A_106 : i1 to vector<16xi1>
      %masked_cumsum3A_108 = tpu.scan <sum>, %get3A_105 masked %broadcast_in_dim3A_107 : vector<16xi32>, vector<16xi1> -> vector<16xi32>
      %sub3A_109 = arith.subi %masked_cumsum3A_108, %get3A_105 : vector<16xi32>
      %add3A_110 = vector.broadcast %add3A_103 : i32 to vector<16xi32>
      %add3A_111 = arith.addi %sub3A_109, %add3A_110 : vector<16xi32>
      %swap3A_112 = arith.constant 112 : index
      %swap3A_113 = tpu.vector_load %arg5[%swap3A_112] {strides = array<i32>} : memref<160xi32, #tpu.memory_space<vmem>>, vector<16xi32>,
      tpu.vector_store %arg5[%swap3A_112], %add3A_111 {strides = array<i32>} : memref<160xi32, #tpu.memory_space<vmem>>, vector<16xi32>,
      %reduce_sum3A_114 = arith.constant true
      %reduce_sum3A_115 = vector.broadcast %reduce_sum3A_114 : i1 to vector<16xi1>
      %reduce_sum3A_116 = tpu.scan <sum>, %get3A_105 masked %reduce_sum3A_115 : vector<16xi32>, vector<16xi1> -> vector<16xi32>
      %reduce_sum3A_117 = vector.extract %reduce_sum3A_116[15] : i32 from vector<16xi32>
      %add3A_118 = arith.addi %add3A_103, %reduce_sum3A_117 : i32
      %broadcast_in_dim3A_119 = arith.constant 0 : i32
      %broadcast_in_dim3A_120 = vector.broadcast %broadcast_in_dim3A_119 : i32 to vector<16xi32>
      %add3A_121 = vector.broadcast %add3A_118 : i32 to vector<16xi32>
      %add3A_122 = arith.addi %broadcast_in_dim3A_120, %add3A_121 : vector<16xi32>
      %swap3A_123 = arith.constant 128 : index
      %swap3A_124 = tpu.vector_load %arg5[%swap3A_123] {strides = array<i32>} : memref<160xi32, #tpu.memory_space<vmem>>, vector<16xi32>,
      tpu.vector_store %arg5[%swap3A_123], %add3A_122 {strides = array<i32>} : memref<160xi32, #tpu.memory_space<vmem>>, vector<16xi32>,
      %swap3A_125 = arith.constant 144 : index
      %swap3A_126 = tpu.vector_load %arg5[%swap3A_125] {strides = array<i32>} : memref<160xi32, #tpu.memory_space<vmem>>, vector<16xi32>,
      tpu.vector_store %arg5[%swap3A_125], %add3A_122 {strides = array<i32>} : memref<160xi32, #tpu.memory_space<vmem>>, vector<16xi32>,
      "tpu.region"() ({
        %run_scoped3A = tpu.sem_alloc : memref<!tpu.dma_semaphore, #tpu.memory_space<semaphore_mem>>
        tpu.enqueue_dma source(%arg5 : memref<160xi32, #tpu.memory_space<vmem>>) target(%arg3 : memref<160xi32, #tpu.memory_space<hbm>>) target_semaphore(%run_scoped3A : memref<!tpu.dma_semaphore, #tpu.memory_space<semaphore_mem>>)
        tpu.wait_dma2 semaphore(%run_scoped3A : memref<!tpu.dma_semaphore, #tpu.memory_space<semaphore_mem>>) src(%arg5 : memref<160xi32, #tpu.memory_space<vmem>>) dst(%arg3 : memref<160xi32, #tpu.memory_space<hbm>>)
        tpu.yield
      }) : () -> ()
    } else {
    }
    return
  }
}

module attributes {stable_mosaic.version = 14 : i64} {
  func.func @_copy_body(%arg0: i32, %arg1: memref<1016x1024xf32, #tpu.memory_space<vmem>>, %arg2: memref<1016x1024xf32, #tpu.memory_space<vmem>>) attributes {dimension_semantics = [#tpu.dimension_semantics<arbitrary>], iteration_bounds = array<i64: 8>, scalar_prefetch = 0 : i64, scratch_operands = 0 : i64, tpu.core_type = #tpu.core_type<tc>, window_params = [{transform_indices = @transform_0, window_bounds = array<i64: 1016, 1024>}, {transform_indices = @transform_1, window_bounds = array<i64: 1016, 1024>}]} {
    %get3A = arith.constant 0 : index
    %get3A_0 = arith.constant 0 : index
    %get3A_1 = vector.load %arg1[%get3A, %get3A_0] : memref<1016x1024xf32, #tpu.memory_space<vmem>>, vector<1016x1024xf32>
    %swap3A = arith.constant 0 : index
    %swap3A_2 = arith.constant 0 : index
    %swap3A_3 = vector.load %arg2[%swap3A, %swap3A_2] : memref<1016x1024xf32, #tpu.memory_space<vmem>>, vector<1016x1024xf32>
    tpu.vector_store %arg2[%swap3A, %swap3A_2], %get3A_1 {strides = array<i32>} : memref<1016x1024xf32, #tpu.memory_space<vmem>>, vector<1016x1024xf32>,
    return
  }
  func.func @transform_0(%arg0: i32) -> (i32, i32) {
    %c0_i32 = arith.constant 0 : i32
    %c0_i32_0 = arith.constant 0 : i32
    return %arg0, %c0_i32 : i32, i32
  }
  func.func @transform_1(%arg0: i32) -> (i32, i32) {
    %c0_i32 = arith.constant 0 : i32
    %c0_i32_0 = arith.constant 0 : i32
    return %arg0, %c0_i32 : i32, i32
  }
}

</mosaic_0001>

<sc_bundles>
// kernel: kernel.4.cloned.1.call-start
scs
__scs_entry_jumppad:
0x0: {  	(pc) =	sbr.rel $0x88, $3  }
0x1: {  	(tag) =	ssettag $0x0;
	lr =	simm.s32 $0x1  }
0x2: {  	[smem:$0x3F9F] =	sst lr;
	_ =	strace $0xD0000000  }
0x3: {  	_ = 	snop  }
0x4: {  	_ = 	snop  }
0x5: {  	_ = 	snop  }
0x6: {  	_ = 	snop  }
0x7: {  	_ = 	snop  }
__scs_overlays_trampoline_lowered:
0x8: {  	[smem:$0x3FAE] =	sst s0  }
0x9: {  	[smem:$0x3FAF] =	sst s1  }
0xa: {  	[smem:$0x3FB0] =	sst s2  }
0xb: {  	[smem:$0x3FB1] =	sst s3  }
0xc: {  	[smem:$0x3FB2] =	sst s4  }
0xd: {  	[smem:$0x3FB3] =	sst s5  }
0xe: {  	[smem:$0x3FB4] =	sst s6  }
0xf: {  	[smem:$0x3FB5] =	sst s7  }
0x10: {  	[smem:$0x3FB6] =	sst s8  }
0x11: {  	[smem:$0x3FB7] =	sst s9;
	s0 =	simm.s32 @!p0 $0x0  }
0x12: {  	s1 =	sld [smem:$0x3F9D];
	s0 =	simm.s32 @p0 $0x1  }
0x13: {  	[smem:$0x3FB8] =	sst s0;
	s0 =	simm.s32 @!p1 $0x0  }
0x14: {  	s2 =	sld [smem:$0x3F9C];
	s0 =	simm.s32 @p1 $0x1  }
0x15: {  	[smem:$0x3FB9] =	sst s0;
	s0 =	simm.s32 @!p2 $0x0  }
0x16: {  	s3 =	sld [smem:$0x3FDB];
	s0 =	simm.s32 @p2 $0x1  }
0x17: {  	s4 =	simm.s32 $0x1BF5;
	[smem:$0x3FBB] =	sst s0  }
0x18: {  	s0 =	sld [smem:$0x3F9E];
	_ =	swait.ge [sflag:s4], $0x0  }
0x19: {  	s7 =	sld [smem:$0x3F9F]  }
0x1a: {  	s8 =	sadd.s32 $0xFFFFE003, lr  }
0x1b: {  	s9 =	sadd.s32 $0xFFFFFEF7, lr;
	s5 =	simm.s32 $0xFFFFFFFF;
	p2 =	slt.u32 s8, $0xFFFFF086  }
0x1c: {  	p1 =	slt.u32 s9, $0xF7A;
	s5 =	simm.s32 @!p2 $0x0  }
0x1d: {  	s5 =	simm.s32 @p1 $0x1;
	p0 =	seq.s32 s7, s2  }
0x1e: {  	s7 =	smul.u32 @!p0 $0xF7A, s2;
	p2 =	seq.s32 @!p0 s5, $0x0  }
0x1f: {  	s9 =	smul.u32 $0xF7A, s1;
	s8 =	simm.s32 @!p0 $0x1BF5;
	p2 =	por !p2, p0  }
0x20: {  	[sflag:s8] =	ssyncset.s32 @!p0 $0xFFFFF086;
	s6 =	sadd.s32 @!p0 s3, s7;
	s7 =	simm.s32 @!p0 $0x108  }
0x21: {  	s3 =	sadd.s32 s3, s9;
	s6 =	sadd.s32 @!p0 $0x88, s6;
	s7 =	simm.s32 @p2 $0x1082  }
0x22: {  	[simem:s7], [sflag:s8] =	dma.local @!p0 [hbm:s6], $0xF7A  }
0x23: {  	s9 =	sor.u32 $0xD0000000, s2;
	s6 =	simm.s32 $0x108;
	_ =	swait.ge @!p0 [sflag:s8], $0x0  }
0x24: {  	s3 =	sadd.s32 $0x88, s3;
	s6 =	simm.s32 @!p1 $0x1082;
	[sflag:s4] =	ssyncset.s32 $0xFFFFF086  }
0x25: {  	[simem:s6], [sflag:s4] =	dma.local [hbm:s3], $0xF7A  }
0x26: {  	[smem:$0x3F9F] =	sst s1;
	(tag) =	ssettag s2;
	_ =	strace s9  }
0x27: {  	s1 =	sld [smem:$0x3FAF]  }
0x28: {  	s2 =	sld [smem:$0x3FB0]  }
0x29: {  	s4 =	sld [smem:$0x3FB2]  }
0x2a: {  	p0 =	seq.s32 s5, $0x0;
	s5 =	sld [smem:$0x3FB3]  }
0x2b: {  	s6 =	sld [smem:$0x3FB4]  }
0x2c: {  	s7 =	sld [smem:$0x3FB5]  }
0x2d: {  	s3 =	simm.s32 $0x108;
	s8 =	sld [smem:$0x3FB6]  }
0x2e: {  	s3 =	simm.s32 @!p0 $0x1082;
	s9 =	sld [smem:$0x3FB7]  }
0x2f: {  	lr =	sadd.s32 s0, s3;
	s0 =	sld [smem:$0x3FAE]  }
0x30: {  	s3 =	sld [smem:$0x3FB1]  }
0x31: {  	[smem:$0x3FBA] =	sst s10  }
0x32: {  	s10 =	sld [smem:$0x3FB8];
	_ =	sdelay $0x3  }
0x33: {  	p0 =	seq.s32 s10, $0x1;
	s10 =	sld [smem:$0x3FBA];
	_ =	sdelay $0x3  }
0x34: {  	[smem:$0x3FBA] =	sst s10  }
0x35: {  	s10 =	sld [smem:$0x3FB9];
	_ =	sdelay $0x3  }
0x36: {  	p1 =	seq.s32 s10, $0x1;
	s10 =	sld [smem:$0x3FBA];
	_ =	sdelay $0x3  }
0x37: {  	[smem:$0x3FBA] =	sst s10  }
0x38: {  	s10 =	sld [smem:$0x3FBB]  }
0x39: {  	_ = 	snop;
	(pc) =	sbr.ind lr, $3  }
0x3a: {  	_ = 	snop  }
0x3b: {  	_ = 	snop  }
0x3c: {  	p2 =	seq.s32 s10, $0x1;
	s10 =	sld [smem:$0x3FBA]  }
0x3d: {  	_ =	shalt  }
0x3e: {  	_ =	shalt  }
0x3f: {  	_ =	shalt  }
0x40: {  	_ =	shalt  }
0x41: {  	_ =	shalt  }
0x42: {  	_ =	shalt  }
0x43: {  	_ =	shalt  }
0x44: {  	_ =	shalt  }
0x45: {  	_ =	shalt  }
0x46: {  	_ =	shalt  }
0x47: {  	_ =	shalt  }
0x48: {  	_ =	shalt  }
0x49: {  	_ =	shalt  }
0x4a: {  	_ =	shalt  }
0x4b: {  	_ =	shalt  }
0x4c: {  	_ =	shalt  }
0x4d: {  	_ =	shalt  }
0x4e: {  	_ =	shalt  }
0x4f: {  	_ =	shalt  }
0x50: {  	_ =	shalt  }
0x51: {  	_ =	shalt  }
0x52: {  	_ =	shalt  }
0x53: {  	_ =	shalt  }
0x54: {  	_ =	shalt  }
0x55: {  	_ =	shalt  }
0x56: {  	_ =	shalt  }
0x57: {  	_ =	shalt  }
0x58: {  	_ =	shalt  }
0x59: {  	_ =	shalt  }
0x5a: {  	_ =	shalt  }
0x5b: {  	_ =	shalt  }
0x5c: {  	_ =	shalt  }
0x5d: {  	_ =	shalt  }
0x5e: {  	_ =	shalt  }
0x5f: {  	_ =	shalt  }
0x60: {  	_ =	shalt  }
0x61: {  	_ =	shalt  }
0x62: {  	_ =	shalt  }
0x63: {  	_ =	shalt  }
0x64: {  	_ =	shalt  }
0x65: {  	_ =	shalt  }
0x66: {  	_ =	shalt  }
0x67: {  	_ =	shalt  }
0x68: {  	_ =	shalt  }
0x69: {  	_ =	shalt  }
0x6a: {  	_ =	shalt  }
0x6b: {  	_ =	shalt  }
0x6c: {  	_ =	shalt  }
0x6d: {  	_ =	shalt  }
0x6e: {  	_ =	shalt  }
0x6f: {  	_ =	shalt  }
0x70: {  	_ =	shalt  }
0x71: {  	_ =	shalt  }
0x72: {  	_ =	shalt  }
0x73: {  	_ =	shalt  }
0x74: {  	_ =	shalt  }
0x75: {  	_ =	shalt  }
0x76: {  	_ =	shalt  }
0x77: {  	_ =	shalt  }
0x78: {  	_ =	shalt  }
0x79: {  	_ =	shalt  }
0x7a: {  	_ =	shalt  }
0x7b: {  	_ =	shalt  }
0x7c: {  	_ =	shalt  }
0x7d: {  	_ =	shalt  }
0x7e: {  	_ =	shalt  }
0x7f: {  	_ =	shalt  }
0x80: {  	_ =	shalt  }
0x81: {  	_ =	shalt  }
0x82: {  	_ =	shalt  }
0x83: {  	_ =	shalt  }
0x84: {  	_ =	shalt  }
0x85: {  	_ =	shalt  }
0x86: {  	_ =	shalt  }
0x87: {  	_ =	shalt  }
.Lfunc_end0:
.L_simem_size_0:
called_computation_lowered:
.L_overlay_start_0:
0x88: {  	s0 =	sld [smem:$0x3FD9]  }
0x89: {  	s1 =	sld [smem:$0x3FFE];
	_ =	sdelay $0x3  }
0x8a: {  	s0 =	sadd.s32 s1, s0  }
0x8b: {  	[smem:$0x3FC6] =	sst s0  }
0x8c: {  	_ = 	snop  }
0x8d: {  	s0 =	sld [smem:$0x3FD0];
	_ =	sdelay $0x2  }
0x8e: {  	s2 =	simm.s32 $0xA;
	s3 =	simm.s32 $0x10;
	s14 =	sld [smem:$0x3FC8]  }
0x8f: {  	[smem:s3], [sflag:s2] =	dma.local [hbm:s0], $0x1  }
0x90: {  	_ =	swait.eq [sflag:s2], $0x1  }
0x91: {  	[sflag:s2] =	ssyncset.done $0x0  }
0x92: {  	[sflag:s2] =	ssyncadd.s32 $0xFFFFFFFF  }
0x93: {  	s15 =	sld [smem:$0x11];
	(tm) =	ssettm $0x1  }
0x94: {  	s16 =	sld [smem:$0x3FFB];
	_ =	sdelay $0x3  }
0x95: {  	_ =	strace s16  }
0x96: {  	s2 =	sld [smem:$0x3FFC];
	_ =	sdelay $0x3  }
0x97: {  	_ =	strace s2  }
0x98: {  	s2 =	sld [smem:$0x3FFD];
	_ =	sdelay $0x3  }
0x99: {  	_ =	strace s2  }
0x9a: {  	_ =	strace $0x8FFFFFFF  }
0x9b: {  	s17 =	sld [smem:$0x3FDB];
	_ =	sdelay $0x1  }
0x9c: {  	s18 =	simm.s32 $_scs_section_size  }
0x9d: {  	s4 =	simm.s32 $_size__tile_overlayer_lowered;
	s5 =	simm.s32 $_tile_overlayer_lowered  }
0x9e: {  	s21 =	simm.s32 $0x1BFF;
	s20 =	sshll.u32 s5, $0x1;
	s2 =	sadd.s32 s18, s17  }
0x9f: {  	s6 =	simm.s32 $0x0;
	s19 =	sshll.u32 s4, $0x1;
	s4 =	sadd.s32 s20, s2  }
0xa0: {  	[timem:s6], [sflag:s21] =	dma.local [hbm:s4], s19  }
0xa1: {  	_ =	swait.ge [sflag:s21], s19  }
0xa2: {  	s3 =	ssub.s32 $0x0, s19;
	[sflag:s21] =	ssyncset.done $0x0  }
0xa3: {  	[sflag:s21] =	ssyncadd.s32 s3;
	_ =	sdelay $0x1  }
0xa4: {  	s22 =	simm.s32 $0x1B8B  }
0xa5: {  	_ =	swait.ge [sflag:s22], $0x1  }
0xa6: {  	[sflag:s22] =	ssyncset.done $0x0  }
0xa7: {  	s23 =	simm.s32 $0x1B8E;
	[sflag:s22] =	ssyncadd.s32 $0xFFFFFFFF  }
0xa8: {  	s24 =	simm.s32 $execute0_lowered;
	[smem:$0x3FD2] =	sst s23  }
0xa9: {  	s3 =	sshll.u32 s24, $0x1;
	_ =	strace $0x80000046;
	[dreg:$0x1] =	wrdreg $0xFFFFFFFF  }
0xaa: {  	s25 =	simm.s32 $_size_execute0_lowered;
	s2 =	sadd.s32 s2, s3;
	[dreg:$0x0] =	wrdreg $0x0  }
0xab: {  	s3 =	sshll.u32 s25, $0x1;
	[dreg:$0x2] =	wrdreg s2  }
0xac: {  	[dreg:$0x3] =	wrdreg s3  }
0xad: {  	[dreg:$0x4] =	wrdreg $0xC0  }
0xae: {  	_ =	task [dreg:s6], $0x5FFFF  }
0xaf: {  	[dreg:$0x1] =	wrdreg $0xFFFFFFFF  }
0xb0: {  	[dreg:$0x0] =	wrdreg $0x60  }
0xb1: {  	[dreg:$0x2] =	wrdreg s14  }
0xb2: {  	[dreg:$0x3] =	wrdreg s15  }
0xb3: {  	[dreg:$0x4] =	wrdreg $0x9  }
0xb4: {  	_ =	task.clear_ibuf [dreg:s6], $0x5FFFF;
	_ =	strace $0x90000046  }
0xb5: {  	s26 =	simm.s32 $0x9;
	_ =	strace $0x80000048  }
0xb6: {  	_ =	swait.ge [sflag:s26], $0x1  }
0xb7: {  	[sflag:s26] =	ssyncadd.s32 $0xFFFFFFFF  }
0xb8: {  	_ =	strace $0x90000048  }
0xb9: {  	_ =	sfence  }
0xba: {  	s28 =	sld [smem:$0x0];
	_ =	sdelay $0x1  }
0xbb: {  	s29 =	srdreg.scid  }
0xbc: {  	s30 =	sshll.u32 s29, $0xD;
	s31 =	sshrl.u32 s29, $0x2  }
0xbd: {  	s1 =	sand.u32 $0x1, s29;
	s2 =	sand.u32 $0x4000, s30;
	s0 =	sadd.s32 s31, s28  }
0xbe: {  	s1 =	sor.u32 s2, s1;
	s0 =	sshll.u32 s0, $0x11  }
0xbf: {  	s0 =	sor.u32 s0, s1  }
0xc0: {  	s0 =	sadd.s32 $0x8F2B, s0  }
0xc1: {  	[sflag:s0] =	ssyncadd.remote.s32 $0x1  }
0xc2: {  	_ =	sfence.sel $0xFFFF  }
0xc3: {  	[dreg:$0x0] =	wrdreg $0xFFFFFFFF;
	(pc) =	sbr.abs _section_cstart, $3  }
0xc4: {  	[dreg:$0x1] =	wrdreg $0xFFFFFFFF  }
0xc5: {  	_ =	task.clear_ibuf [dreg:s6], $0x2FFFF;
	_ =	strace $0x9FFFFFFF  }
0xc6: {  	(tm) =	ssettm $0x7FFFFFFF  }
0xc7: {  	_ =	shalt  }
tec
execute0_lowered:
.L_overlay_start_1:
0x0: {  	(tag) =	ssettag $0x1  }
0x1: {  	s2 =	rddreg [dreg:$0x0]  }
0x2: {  	s1 =	rddreg [dreg:$0x1];
	s3 =	stileid.u32  }
0x3: {  	s0 =	rddreg [dreg:$0x2];
	_ =	strace $0x80000047;
	p0 =	sne.s32 s3, $0x0  }
0x4: {  	_ =	sfence.sel @p0 $0x180000  }
0x5: {  	[bflag:$0x0] =	sbarrier.arrive @p0 $0xFFFF  }
0x6: {  	_ =	strace @p0 $0x90000047  }
0x7: {  	[bflag:$0x2] =	sbarrier.arrive @p0 $0xFFFF  }
0x8: {  	_ =	shalt @p0  }
.LBB2_1:
0x9: {  	s3 =	simm.s32 $0x0;
	s23 =	simm.s32 $0x1  }
0xa: {  	[tilespmem:s3], [sflag:$0x1] =	stream.linear.gather [hbm4b:s2+s3], $0x80, $0x38;
	[tilespmem:$0x180] =	vst v63  }
0xb: {  	_ =	swait.ge [sflag:s23], $0x80  }
0xc: {  	[sflag:s23] =	ssyncset.done $0x0  }
0xd: {  	[sflag:s23] =	ssyncadd.s32 $0xFFFFFF80  }
0xe: {  	v0 =	vld [tilespmem:$0x0]  }
0xf: {  	v1 =	vld [tilespmem:$0x10]  }
0x10: {  	v2 =	vld [tilespmem:$0x20]  }
0x11: {  	v3 =	vld [tilespmem:$0x30]  }
0x12: {  	v4 =	vld [tilespmem:$0x40]  }
0x13: {  	v5 =	vld [tilespmem:$0x50];
	(xrf0) =	vadd.scan.msk.s32 $0xffff, v0  }
0x14: {  	v6 =	vld [tilespmem:$0x60];
	(xrf0) =	vadd.scan.msk.s32 $0xffff, v1  }
0x15: {  	v7 =	vld [tilespmem:$0x70];
	(xrf0) =	vadd.scan.msk.s32 $0xffff, v2  }
0x16: {  	(xrf0) =	vadd.scan.msk.s32 $0xffff, v3  }
0x17: {  	(xrf0) =	vadd.scan.msk.s32 $0xffff, v4  }
0x18: {  	(xrf0) =	vadd.scan.msk.s32 $0xffff, v5  }
0x19: {  	v8, _, _ =	vpop (xrf0);
	(xrf0) =	vadd.scan.msk.s32 $0xffff, v6  }
0x1a: {  	(v2sf) =	vpush v8, $0xF;
	v9, _, _ =	vpop (xrf0);
	(xrf0) =	vadd.scan.msk.s32 $0xffff, v7  }
0x1b: {  	v10, _, _ =	vpop (xrf0);
	(v2sf) =	vpush v9, $0xF  }
0x1c: {  	v11, _, _ =	vpop (xrf0);
	(v2sf) =	vpush v10, $0xF  }
0x1d: {  	v12, _, _ =	vpop (xrf0);
	(v2sf) =	vpush v11, $0xF  }
0x1e: {  	v13, _, _ =	vpop (xrf0);
	(v2sf) =	vpush v12, $0xF  }
0x1f: {  	v14, _, _ =	vpop (xrf0);
	(v2sf) =	vpush v13, $0xF  }
0x20: {  	(v2sf) =	vpush v14, $0xF;
	v15, _, _ =	vpop (xrf0)  }
0x21: {  	(v2sf) =	vpush v15, $0xF;
	_ =	sdelay $0x6  }
0x22: {  	v16 =	vbroadcast v8, $0xF  }
0x23: {  	s4 =	spop (v2sf)  }
0x24: {  	v0 =	vsub.s32 v8, v0;
	v1 =	vsub.s32 v16, v1;
	s5 =	spop (v2sf)  }
0x25: {  	[tilespmem:$0x80] =	vst v0;
	v55 =	vsub.s32 v10, v2;
	v54 =	vadd.s32 v9, v1;
	s4 =	sadd.s32 s4, s5;
	s24 =	spop (v2sf)  }
0x26: {  	v56 =	vsub.s32 v11, v3;
	[tilespmem:$0x90] =	vst v54;
	v1 =	vadd.s32 s4, v55;
	s4 =	sadd.s32 s4, s24;
	s25 =	spop (v2sf)  }
0x27: {  	v57 =	vsub.s32 v12, v4;
	[tilespmem:$0xA0] =	vst v1;
	v0 =	vadd.s32 s4, v56;
	s4 =	sadd.s32 s4, s25;
	s26 =	spop (v2sf)  }
0x28: {  	v58 =	vsub.s32 v13, v5;
	[tilespmem:$0xB0] =	vst v0;
	v1 =	vadd.s32 s4, v57;
	s4 =	sadd.s32 s4, s26;
	s28 =	spop (v2sf)  }
0x29: {  	v59 =	vsub.s32 v14, v6;
	[tilespmem:$0xC0] =	vst v1;
	v0 =	vadd.s32 s4, v58;
	s4 =	sadd.s32 s4, s28;
	s29 =	spop (v2sf)  }
0x2a: {  	v61 =	vsub.s32 v15, v7;
	[tilespmem:$0xD0] =	vst v0;
	v60 =	vadd.s32 s4, v59;
	s4 =	sadd.s32 s4, s29;
	s30 =	spop (v2sf)  }
0x2b: {  	[tilespmem:$0xE0] =	vst v60;
	v62 =	vadd.s32 s4, v61;
	s4 =	sadd.s32 s4, s30  }
0x2c: {  	[tilespmem:$0xF0] =	vst v62;
	v63 =	vmov s4  }
0x2d: {  	[tilespmem:$0x100] =	vst v63  }
0x2e: {  	s31 =	simm.s32 $0x80;
	[tilespmem:$0x110] =	vst v63  }
0x2f: {  	[hbm4b:s1+s3] =	stream.linear.scatter [tilespmem:s31], [sflag:$0x1], $0x100, $0x38;
	[tilespmem:$0x180] =	vst v63  }
0x30: {  	_ =	swait.ge [sflag:s23], $0x100  }
0x31: {  	[sflag:s23] =	ssyncset.done $0x0  }
0x32: {  	[sflag:s23] =	ssyncadd.s32 $0xFFFFFF00  }
0x33: {  	_ =	sfence.sel $0x180000  }
0x34: {  	[bflag:$0x0] =	sbarrier.arrive $0xFFFF  }
0x35: {  	_ =	strace $0x90000047  }
0x36: {  	s0 =	sadd.s32 $0x100000, s0;
	[bflag:$0x2] =	sbarrier.arrive $0xFFFF  }
0x37: {  	[sflag:s0] =	ssyncadd.tile.s32 $0x1;
	_ =	shalt  }
.Lfunc_end2:
_tile_overlayer_lowered:
.L_overlay_start_2:
0x38: {  	(tag) =	ssettag $0x2  }
0x39: {  	s0 =	rddreg [dreg:$0x0];
	s2 =	stileid.u32  }
0x3a: {  	s1 =	rddreg [dreg:$0x1];
	p0 =	sne.s32 s2, $0x0  }
0x3b: {  	s3 =	rddreg [dreg:$0x2];
	[bflag:$0x3] =	sbarrier.arrive $0xFFFF;
	s2 =	simm.s32 @!p0 $0x1C01  }
0x3c: {  	[timem:s3], [sflag:s2] =	dma.local @!p0 [hbm:s0], s1  }
0x3d: {  	s0 =	simm.s32 @!p0 $0x1  }
0x3e: {  	_ =	swait.ge @!p0 [sflag:s0], s1  }
0x3f: {  	s1 =	ssub.s32 @!p0 $0x0, s1;
	[sflag:s0] =	ssyncset.done @!p0 $0x0  }
0x40: {  	[sflag:s0] =	ssyncadd.s32 @!p0 s1  }
0x41: {  	[bflag:$0x3] =	sbarrier.arrive $0xFFFF  }
0x42: {  	_ =	shalt  }

</sc_bundles>
